<compile_context>
chip_gen: v7x
topology: tpu7x:2x2x1
jax: 0.10.2.dev20260603
libtpu: 0.0.44.dev20260713+nightly
codegen_flags: <defaults>
</compile_context>

<pallas_src>
import functools

import jax
import jax.numpy as jnp
from jax import lax
from jax.experimental import pallas as pl
from jax.experimental.pallas import tpu as pltpu
from jax.experimental.pallas import tpu_sc as plsc

B = 1024
D = 32
C = 100000
SCALAR_GAIN = 30.0
TILE_R = 2048
NUM_BLOCKS = (C + TILE_R - 1) // TILE_R


@functools.cache
def _make_sc_diag_gather():
    info = plsc.get_sparse_core_info()
    nw = info.num_cores * info.num_subcores
    bpw = B // nw
    mesh = plsc.VectorSubcoreMesh(core_axis_name="c", subcore_axis_name="s")

    @functools.partial(
        pl.kernel,
        mesh=mesh,
        out_type=jax.ShapeDtypeStruct((B, B), jnp.float32),
        scratch_types=[
            pltpu.VMEM((bpw,), jnp.int32),
            pltpu.VMEM((bpw, B), jnp.float32),
            pltpu.SemaphoreType.DMA,
        ],
    )
    def gather_rows(lt_hbm, tgt_hbm, out_hbm, idx_v, rows_v, sem):
        wid = lax.axis_index("s") * info.num_cores + lax.axis_index("c")
        base = wid * bpw
        pltpu.sync_copy(tgt_hbm.at[pl.ds(base, bpw)], idx_v)
        pltpu.async_copy(lt_hbm.at[idx_v], rows_v, sem).wait()
        pltpu.sync_copy(rows_v, out_hbm.at[pl.ds(base, bpw)])

    return gather_rows


def _tc_body(xT_ref, lutT_ref, out_ref, lse_ref, m_ref, s_ref):
    i = pl.program_id(0)
    xT = xT_ref[...]
    lt = lutT_ref[...]
    logitsT = lax.dot_general(
        lt, xT, (((0,), (0,)), ((), ())), preferred_element_type=jnp.float32
    ) * SCALAR_GAIN
    out_ref[...] = logitsT

    row = i * TILE_R + lax.broadcasted_iota(jnp.int32, (TILE_R, 1), 0)
    masked = jnp.where(row < C, logitsT, -jnp.inf)
    tile_max = jnp.max(masked, axis=0, keepdims=True)

    @pl.when(i == 0)
    def _init():
        m_ref[...] = jnp.full((1, B), -jnp.inf, jnp.float32)
        s_ref[...] = jnp.zeros((1, B), jnp.float32)

    m_old = m_ref[...]
    m_new = jnp.maximum(m_old, tile_max)
    s_ref[...] = s_ref[...] * jnp.exp(m_old - m_new) + jnp.sum(
        jnp.exp(masked - m_new), axis=0, keepdims=True
    )
    m_ref[...] = m_new

    @pl.when(i == NUM_BLOCKS - 1)
    def _finish():
        lse_ref[...] = m_ref[...] + jnp.log(s_ref[...])


def _combine_body(lse_ref, rows_ref, loss_ref):
    r = lax.broadcasted_iota(jnp.int32, (B, B), 0)
    c = lax.broadcasted_iota(jnp.int32, (B, B), 1)
    tgt_logit = jnp.sum(
        jnp.where(r == c, rows_ref[...], 0.0), axis=0, keepdims=True
    )
    loss_ref[...] = jnp.mean(lse_ref[...] - tgt_logit, keepdims=True)


def kernel(inputs, targets, lut):
    logitsT, lse = pl.pallas_call(
        _tc_body,
        grid=(NUM_BLOCKS,),
        in_specs=[
            pl.BlockSpec((D, B), lambda i: (0, 0)),
            pl.BlockSpec((D, TILE_R), lambda i: (0, i)),
        ],
        out_specs=[
            pl.BlockSpec((TILE_R, B), lambda i: (i, 0)),
            pl.BlockSpec((1, B), lambda i: (0, 0)),
        ],
        out_shape=[
            jax.ShapeDtypeStruct((C, B), jnp.float32),
            jax.ShapeDtypeStruct((1, B), jnp.float32),
        ],
        scratch_shapes=[
            pltpu.VMEM((1, B), jnp.float32),
            pltpu.VMEM((1, B), jnp.float32),
        ],
        compiler_params=pltpu.CompilerParams(
            dimension_semantics=("arbitrary",)
        ),
    )(inputs.T, lut.T)

    tgt_mat = _make_sc_diag_gather()(logitsT, targets)

    loss = pl.pallas_call(
        _combine_body,
        in_specs=[
            pl.BlockSpec((1, B), lambda: (0, 0)),
            pl.BlockSpec((B, B), lambda: (0, 0)),
        ],
        out_specs=pl.BlockSpec((1, 1), lambda: (0, 0)),
        out_shape=jax.ShapeDtypeStruct((1, 1), jnp.float32),
    )(lse, tgt_mat)

    return (loss[0, 0], logitsT.T)

# --- scband reference (transcript-rebuilt; emitter-appended) ---
"""Pipeline reference for scband-oimloss-26259430048084 (READ-ONLY COPY).

The authoritative reference and input builder live on the scoring server;
editing this copy changes nothing except your own understanding.
"""

import jax, jax.numpy as jnp
import numpy as np

B = 1024
D = 32
C = 100000
SCALAR = 30.0

def setup_inputs(seed: int = 0) -> dict:
    key = jax.random.key(seed)
    k1, k2, k3 = jax.random.split(key, 3)
    inputs = jax.random.normal(k1, (B, D), dtype=jnp.float32)
    targets = jax.random.randint(k2, (B,), 0, C, dtype=jnp.int32)
    # lut buffer: registered as zeros in torch, but a zero lut makes the loss degenerate;
    # materialize a realistic (row-normalized) lookup table as the learned memory state.
    lut = jax.random.normal(k3, (C, D), dtype=jnp.float32)
    lut = lut / jnp.linalg.norm(lut, axis=1, keepdims=True)
    return {"inputs": inputs, "targets": targets, "lut": lut}

def reference(inputs, targets, lut):
    # OIM.forward: outputs = inputs.mm(lut.t())
    logits = jnp.dot(inputs, lut.T)
    # inputs *= self.scalar (applied to the oim output)
    logits = logits * SCALAR
    # F.cross_entropy(logits, targets, reduction='mean')
    logp = jax.nn.log_softmax(logits, axis=-1)
    nll = -jnp.take_along_axis(logp, targets[:, None].astype(jnp.int32), axis=1)[:, 0]
    loss = jnp.mean(nll)
    return (loss, logits)

if __name__ == "__main__":
    import jax
    _d = setup_inputs()
    print(jax.jit(kernel)(*tuple(_d.values())))

</pallas_src>

<mosaic_0001>
#map = affine_map<(d0, d1) -> (0, 0)>
#map1 = affine_map<(d0, d1) -> (0)>
module attributes {stable_mosaic.version = 14 : i64} {
  func.func @gather_rows(%arg0: i32, %arg1: i32, %arg2: memref<100000x1024xf32, #tpu.memory_space<hbm>>, %arg3: memref<1024xi32, #tpu.memory_space<hbm>>, %arg4: memref<1024x1024xf32, #tpu.memory_space<hbm>>, %arg5: memref<32xi32, #tpu.memory_space<vmem>>, %arg6: memref<32x1024xf32, #tpu.memory_space<vmem>>, %arg7: memref<!tpu.dma_semaphore, #tpu.memory_space<semaphore_mem>>) attributes {dimension_semantics = [#tpu.dimension_semantics<core_parallel>, #tpu.dimension_semantics<subcore_parallel>], iteration_bounds = array<i64: 2, 16>, scalar_prefetch = 0 : i64, scratch_operands = 3 : i64, tpu.core_type = #tpu.core_type<sc_vector_subcore>, window_params = [{transform_indices = #map}, {transform_indices = #map1}, {transform_indices = #map}]} {
    %mul3A = arith.constant 2 : i32
    %mul3A_0 = arith.muli %arg1, %mul3A : i32
    %add3A = arith.addi %mul3A_0, %arg0 : i32
    %mul3A_1 = arith.constant 32 : i32
    %mul3A_2 = arith.muli %add3A, %mul3A_1 : i32
    "tpu.region"() ({
      %run_scoped3A = tpu.sem_alloc : memref<!tpu.dma_semaphore, #tpu.memory_space<semaphore_mem>>
      %dma_start3A_7 = tpu.memref_slice %arg3[%mul3A_2] : memref<1024xi32, #tpu.memory_space<hbm>> -> memref<32xi32, #tpu.memory_space<hbm>>
      %dma_start3A_8 = tpu.memref_slice %arg3[%mul3A_2] : memref<1024xi32, #tpu.memory_space<hbm>> -> memref<32xi32, #tpu.memory_space<hbm>>
      tpu.enqueue_dma source(%dma_start3A_8 : memref<32xi32, #tpu.memory_space<hbm>>) target(%arg5 : memref<32xi32, #tpu.memory_space<vmem>>) target_semaphore(%run_scoped3A : memref<!tpu.dma_semaphore, #tpu.memory_space<semaphore_mem>>)
      %dma_wait3A_9 = tpu.memref_slice %arg3[%mul3A_2] : memref<1024xi32, #tpu.memory_space<hbm>> -> memref<32xi32, #tpu.memory_space<hbm>>
      %dma_wait3A_10 = tpu.memref_slice %arg3[%mul3A_2] : memref<1024xi32, #tpu.memory_space<hbm>> -> memref<32xi32, #tpu.memory_space<hbm>>
      tpu.wait_dma2 semaphore(%run_scoped3A : memref<!tpu.dma_semaphore, #tpu.memory_space<semaphore_mem>>) src(%dma_wait3A_10 : memref<32xi32, #tpu.memory_space<hbm>>) dst(%arg5 : memref<32xi32, #tpu.memory_space<vmem>>)
      tpu.yield
    }) : () -> ()
    %dma_start3A = arith.constant 0 : i32
    %dma_start3A_3 = arith.constant 0 : i32
    %dma_start3A_4 = tpu.memref_slice %arg2[%dma_start3A, %dma_start3A_3] : memref<100000x1024xf32, #tpu.memory_space<hbm>> -> memref<100000x1024xf32, #tpu.memory_space<hbm>>
    tpu.enqueue_indirect_dma source(%dma_start3A_4 : memref<100000x1024xf32, #tpu.memory_space<hbm>>) target(%arg6 : memref<32x1024xf32, #tpu.memory_space<vmem>>) offsets(%arg5 : memref<32xi32, #tpu.memory_space<vmem>>) semaphore(%arg7 : memref<!tpu.dma_semaphore, #tpu.memory_space<semaphore_mem>>)
    %dma_wait3A = arith.constant 0 : i32
    %dma_wait3A_5 = arith.constant 0 : i32
    %dma_wait3A_6 = tpu.memref_slice %arg2[%dma_wait3A, %dma_wait3A_5] : memref<100000x1024xf32, #tpu.memory_space<hbm>> -> memref<100000x1024xf32, #tpu.memory_space<hbm>>
    tpu.wait_indirect_dma semaphore(%arg7 : memref<!tpu.dma_semaphore, #tpu.memory_space<semaphore_mem>>) src(%dma_wait3A_6 : memref<100000x1024xf32, #tpu.memory_space<hbm>>) dst(%arg6 : memref<32x1024xf32, #tpu.memory_space<vmem>>)
    "tpu.region"() ({
      %run_scoped3A = tpu.sem_alloc : memref<!tpu.dma_semaphore, #tpu.memory_space<semaphore_mem>>
      %dma_start3A_7 = arith.constant 0 : i32
      %dma_start3A_8 = tpu.memref_slice %arg4[%mul3A_2, %dma_start3A_7] : memref<1024x1024xf32, #tpu.memory_space<hbm>> -> memref<32x1024xf32, #tpu.memory_space<hbm>>
      %dma_start3A_9 = arith.constant 0 : i32
      %dma_start3A_10 = tpu.memref_slice %arg4[%mul3A_2, %dma_start3A_9] : memref<1024x1024xf32, #tpu.memory_space<hbm>> -> memref<32x1024xf32, #tpu.memory_space<hbm>>
      tpu.enqueue_dma source(%arg6 : memref<32x1024xf32, #tpu.memory_space<vmem>>) target(%dma_start3A_10 : memref<32x1024xf32, #tpu.memory_space<hbm>>) target_semaphore(%run_scoped3A : memref<!tpu.dma_semaphore, #tpu.memory_space<semaphore_mem>>)
      %dma_wait3A_11 = arith.constant 0 : i32
      %dma_wait3A_12 = tpu.memref_slice %arg4[%mul3A_2, %dma_wait3A_11] : memref<1024x1024xf32, #tpu.memory_space<hbm>> -> memref<32x1024xf32, #tpu.memory_space<hbm>>
      %dma_wait3A_13 = arith.constant 0 : i32
      %dma_wait3A_14 = tpu.memref_slice %arg4[%mul3A_2, %dma_wait3A_13] : memref<1024x1024xf32, #tpu.memory_space<hbm>> -> memref<32x1024xf32, #tpu.memory_space<hbm>>
      tpu.wait_dma2 semaphore(%run_scoped3A : memref<!tpu.dma_semaphore, #tpu.memory_space<semaphore_mem>>) src(%arg6 : memref<32x1024xf32, #tpu.memory_space<vmem>>) dst(%dma_wait3A_14 : memref<32x1024xf32, #tpu.memory_space<hbm>>)
      tpu.yield
    }) : () -> ()
    return
  }
}

module attributes {stable_mosaic.version = 14 : i64} {
  func.func @_combine_body(%arg0: memref<1x1024xf32, #tpu.memory_space<vmem>>, %arg1: memref<1024x1024xf32, #tpu.memory_space<vmem>>, %arg2: memref<1x1xf32, #tpu.memory_space<vmem>>) attributes {dimension_semantics = [], scalar_prefetch = 0 : i64, scratch_operands = 0 : i64, tpu.core_type = #tpu.core_type<tc>} {
    %iota3A = tpu.iota {dimensions = array<i32: 0>} : vector<1024x1024xi32>
    %iota3A_0 = tpu.iota {dimensions = array<i32: 1>} : vector<1024x1024xi32>
    %eq3A = arith.cmpi eq, %iota3A, %iota3A_0 : vector<1024x1024xi32>
    %get3A = arith.constant 0 : index
    %get3A_1 = arith.constant 0 : index
    %get3A_2 = vector.load %arg1[%get3A, %get3A_1] : memref<1024x1024xf32, #tpu.memory_space<vmem>>, vector<1024x1024xf32>
    %jit3A = arith.constant 0.000000e+00 : f32
    %broadcast_in_dim3A = vector.broadcast %jit3A : f32 to vector<1024x1024xf32>
    %select_n3A = arith.select %eq3A, %get3A_2, %broadcast_in_dim3A : vector<1024x1024xi1>, vector<1024x1024xf32>
    %reduce_sum3A = arith.constant dense<0.000000e+00> : vector<1024xf32>
    %reduce_sum3A_3 = vector.multi_reduction <add>, %select_n3A, %reduce_sum3A [0] : vector<1024x1024xf32> to vector<1024xf32>
    %broadcast_in_dim3A_4 = vector.shape_cast %reduce_sum3A_3 : vector<1024xf32> to vector<1x1024xf32>
    %get3A_5 = arith.constant 0 : index
    %get3A_6 = arith.constant 0 : index
    %get3A_7 = vector.load %arg0[%get3A_5, %get3A_6] : memref<1x1024xf32, #tpu.memory_space<vmem>>, vector<1x1024xf32>
    %sub3A = arith.subf %get3A_7, %broadcast_in_dim3A_4 : vector<1x1024xf32>
    %reduce_sum3A_8 = vector.shape_cast %sub3A : vector<1x1024xf32> to vector<1x1x1024xf32>
    %reduce_sum3A_9 = arith.constant dense<0.000000e+00> : vector<1xf32>
    %reduce_sum3A_10 = vector.multi_reduction <add>, %reduce_sum3A_8, %reduce_sum3A_9 [1, 2] : vector<1x1x1024xf32> to vector<1xf32>
    %reduce_sum3A_11 = vector.shape_cast %reduce_sum3A_10 : vector<1xf32> to vector<1x1x1xf32>
    %reduce_sum3A_12 = vector.extract %reduce_sum3A_11[0, 0, 0] : f32 from vector<1x1x1xf32>
    %broadcast_in_dim3A_13 = vector.broadcast %reduce_sum3A_12 : f32 to vector<1x1xf32>
    %div3A = arith.constant 1.024000e+03 : f32
    %div3A_14 = vector.broadcast %div3A : f32 to vector<1x1xf32>
    %div3A_15 = arith.divf %broadcast_in_dim3A_13, %div3A_14 : vector<1x1xf32>
    %swap3A = arith.constant 0 : index
    %swap3A_16 = arith.constant 0 : index
    %swap3A_17 = vector.load %arg2[%swap3A, %swap3A_16] : memref<1x1xf32, #tpu.memory_space<vmem>>, vector<1x1xf32>
    tpu.vector_store %arg2[%swap3A, %swap3A_16], %div3A_15 {strides = array<i32>} : memref<1x1xf32, #tpu.memory_space<vmem>>, vector<1x1xf32>,
    return
  }
}

module attributes {stable_mosaic.version = 14 : i64} {
  func.func @_tc_body(%arg0: i32, %arg1: memref<32x1024xf32, #tpu.memory_space<vmem>>, %arg2: memref<32x2048xf32, #tpu.memory_space<vmem>>, %arg3: memref<2048x1024xf32, #tpu.memory_space<vmem>>, %arg4: memref<1x1024xf32, #tpu.memory_space<vmem>>, %arg5: memref<1x1024xf32, #tpu.memory_space<vmem>>, %arg6: memref<1x1024xf32, #tpu.memory_space<vmem>>) attributes {dimension_semantics = [#tpu.dimension_semantics<arbitrary>], iteration_bounds = array<i64: 49>, scalar_prefetch = 0 : i64, scratch_operands = 2 : i64, tpu.core_type = #tpu.core_type<tc>, window_params = [{pipeline_mode = #tpu.pipeline_mode<synchronous>, transform_indices = @transform_0, window_bounds = array<i64: 32, 1024>}, {transform_indices = @transform_1, window_bounds = array<i64: 32, 2048>}, {transform_indices = @transform_2, window_bounds = array<i64: 2048, 1024>}, {pipeline_mode = #tpu.pipeline_mode<synchronous>, transform_indices = @transform_3, window_bounds = array<i64: 1, 1024>}]} {
    %get3A = arith.constant 0 : index
    %get3A_0 = arith.constant 0 : index
    %get3A_1 = vector.load %arg1[%get3A, %get3A_0] : memref<32x1024xf32, #tpu.memory_space<vmem>>, vector<32x1024xf32>
    %get3A_2 = arith.constant 0 : index
    %get3A_3 = arith.constant 0 : index
    %get3A_4 = vector.load %arg2[%get3A_2, %get3A_3] : memref<32x2048xf32, #tpu.memory_space<vmem>>, vector<32x2048xf32>
    %dot_general3A = arith.constant dense<0.000000e+00> : vector<2048x1024xf32>
    %dot_general3A_5 = tpu.matmul %get3A_4, %get3A_1, %dot_general3A {dimension_numbers = #tpu.dot_dimension_numbers<[0], [0], [1], [1], [0, 1, 1, 1], [], []>, transpose_lhs_hint = false} : vector<32x2048xf32>, vector<32x1024xf32>, vector<2048x1024xf32> -> vector<2048x1024xf32>
    %mul3A = arith.constant 3.000000e+01 : f32
    %mul3A_6 = vector.broadcast %mul3A : f32 to vector<2048x1024xf32>
    %mul3A_7 = arith.mulf %dot_general3A_5, %mul3A_6 : vector<2048x1024xf32>
    %swap3A = arith.constant 0 : index
    %swap3A_8 = arith.constant 0 : index
    %swap3A_9 = vector.load %arg3[%swap3A, %swap3A_8] : memref<2048x1024xf32, #tpu.memory_space<vmem>>, vector<2048x1024xf32>
    tpu.vector_store %arg3[%swap3A, %swap3A_8], %mul3A_7 {strides = array<i32>} : memref<2048x1024xf32, #tpu.memory_space<vmem>>, vector<2048x1024xf32>,
    %mul3A_10 = arith.constant 2048 : i32
    %mul3A_11 = arith.muli %arg0, %mul3A_10 : i32
    %iota3A = tpu.iota {dimensions = array<i32: 0>} : vector<2048x1xi32>
    %add3A = vector.broadcast %mul3A_11 : i32 to vector<2048x1xi32>
    %add3A_12 = arith.addi %add3A, %iota3A : vector<2048x1xi32>
    %lt3A = arith.constant 100000 : i32
    %lt3A_13 = vector.broadcast %lt3A : i32 to vector<2048x1xi32>
    %lt3A_14 = arith.cmpi slt, %add3A_12, %lt3A_13 : vector<2048x1xi32>
    %jit3A = arith.constant 0xFF800000 : f32
    %broadcast_in_dim3A = vector.shape_cast %lt3A_14 : vector<2048x1xi1> to vector<2048x1xi1>
    %broadcast_in_dim3A_15 = vector.broadcast %broadcast_in_dim3A : vector<2048x1xi1> to vector<2048x1024xi1>
    %broadcast_in_dim3A_16 = vector.broadcast %jit3A : f32 to vector<2048x1024xf32>
    %select_n3A = arith.select %broadcast_in_dim3A_15, %mul3A_7, %broadcast_in_dim3A_16 : vector<2048x1024xi1>, vector<2048x1024xf32>
    %reduce_max3A = arith.constant dense<0xFF800000> : vector<1024xf32>
    %reduce_max3A_17 = vector.multi_reduction <maximumf>, %select_n3A, %reduce_max3A [0] : vector<2048x1024xf32> to vector<1024xf32>
    %broadcast_in_dim3A_18 = vector.shape_cast %reduce_max3A_17 : vector<1024xf32> to vector<1x1024xf32>
    %eq3A = arith.constant 0 : i32
    %eq3A_19 = arith.cmpi eq, %arg0, %eq3A : i32
    %convert_element_type3A = arith.extui %eq3A_19 : i1 to i32
    %cond3A = arith.constant 0 : i32
    %cond3A_20 = arith.cmpi ne, %convert_element_type3A, %cond3A : i32
    scf.if %cond3A_20 {
      %broadcast_in_dim3A_45 = arith.constant 0xFF800000 : f32
      %broadcast_in_dim3A_46 = vector.broadcast %broadcast_in_dim3A_45 : f32 to vector<1x1024xf32>
      %swap3A_47 = arith.constant 0 : index
      %swap3A_48 = arith.constant 0 : index
      %swap3A_49 = vector.load %arg5[%swap3A_47, %swap3A_48] : memref<1x1024xf32, #tpu.memory_space<vmem>>, vector<1x1024xf32>
      tpu.vector_store %arg5[%swap3A_47, %swap3A_48], %broadcast_in_dim3A_46 {strides = array<i32>} : memref<1x1024xf32, #tpu.memory_space<vmem>>, vector<1x1024xf32>,
      %broadcast_in_dim3A_50 = arith.constant 0.000000e+00 : f32
      %broadcast_in_dim3A_51 = vector.broadcast %broadcast_in_dim3A_50 : f32 to vector<1x1024xf32>
      %swap3A_52 = arith.constant 0 : index
      %swap3A_53 = arith.constant 0 : index
      %swap3A_54 = vector.load %arg6[%swap3A_52, %swap3A_53] : memref<1x1024xf32, #tpu.memory_space<vmem>>, vector<1x1024xf32>
      tpu.vector_store %arg6[%swap3A_52, %swap3A_53], %broadcast_in_dim3A_51 {strides = array<i32>} : memref<1x1024xf32, #tpu.memory_space<vmem>>, vector<1x1024xf32>,
    } else {
    }
    %get3A_21 = arith.constant 0 : index
    %get3A_22 = arith.constant 0 : index
    %get3A_23 = vector.load %arg5[%get3A_21, %get3A_22] : memref<1x1024xf32, #tpu.memory_space<vmem>>, vector<1x1024xf32>
    %max3A = arith.maximumf %get3A_23, %broadcast_in_dim3A_18 : vector<1x1024xf32>
    %get3A_24 = arith.constant 0 : index
    %get3A_25 = arith.constant 0 : index
    %get3A_26 = vector.load %arg6[%get3A_24, %get3A_25] : memref<1x1024xf32, #tpu.memory_space<vmem>>, vector<1x1024xf32>
    %sub3A = arith.subf %get3A_23, %max3A : vector<1x1024xf32>
    %exp3A = math.exp %sub3A : vector<1x1024xf32>
    %mul3A_27 = arith.mulf %get3A_26, %exp3A : vector<1x1024xf32>
    %sub3A_28 = vector.broadcast %max3A : vector<1x1024xf32> to vector<2048x1024xf32>
    %sub3A_29 = arith.subf %select_n3A, %sub3A_28 : vector<2048x1024xf32>
    %exp3A_30 = math.exp %sub3A_29 : vector<2048x1024xf32>
    %reduce_sum3A = arith.constant dense<0.000000e+00> : vector<1024xf32>
    %reduce_sum3A_31 = vector.multi_reduction <add>, %exp3A_30, %reduce_sum3A [0] : vector<2048x1024xf32> to vector<1024xf32>
    %broadcast_in_dim3A_32 = vector.shape_cast %reduce_sum3A_31 : vector<1024xf32> to vector<1x1024xf32>
    %add3A_33 = arith.addf %mul3A_27, %broadcast_in_dim3A_32 : vector<1x1024xf32>
    %swap3A_34 = arith.constant 0 : index
    %swap3A_35 = arith.constant 0 : index
    %swap3A_36 = vector.load %arg6[%swap3A_34, %swap3A_35] : memref<1x1024xf32, #tpu.memory_space<vmem>>, vector<1x1024xf32>
    tpu.vector_store %arg6[%swap3A_34, %swap3A_35], %add3A_33 {strides = array<i32>} : memref<1x1024xf32, #tpu.memory_space<vmem>>, vector<1x1024xf32>,
    %swap3A_37 = arith.constant 0 : index
    %swap3A_38 = arith.constant 0 : index
    %swap3A_39 = vector.load %arg5[%swap3A_37, %swap3A_38] : memref<1x1024xf32, #tpu.memory_space<vmem>>, vector<1x1024xf32>
    tpu.vector_store %arg5[%swap3A_37, %swap3A_38], %max3A {strides = array<i32>} : memref<1x1024xf32, #tpu.memory_space<vmem>>, vector<1x1024xf32>,
    %eq3A_40 = arith.constant 48 : i32
    %eq3A_41 = arith.cmpi eq, %arg0, %eq3A_40 : i32
    %convert_element_type3A_42 = arith.extui %eq3A_41 : i1 to i32
    %cond3A_43 = arith.constant 0 : i32
    %cond3A_44 = arith.cmpi ne, %convert_element_type3A_42, %cond3A_43 : i32
    scf.if %cond3A_44 {
      %get3A_45 = arith.constant 0 : index
      %get3A_46 = arith.constant 0 : index
      %get3A_47 = vector.load %arg5[%get3A_45, %get3A_46] : memref<1x1024xf32, #tpu.memory_space<vmem>>, vector<1x1024xf32>
      %get3A_48 = arith.constant 0 : index
      %get3A_49 = arith.constant 0 : index
      %get3A_50 = vector.load %arg6[%get3A_48, %get3A_49] : memref<1x1024xf32, #tpu.memory_space<vmem>>, vector<1x1024xf32>
      %log3A = math.log %get3A_50 : vector<1x1024xf32>
      %add3A_51 = arith.addf %get3A_47, %log3A : vector<1x1024xf32>
      %swap3A_52 = arith.constant 0 : index
      %swap3A_53 = arith.constant 0 : index
      %swap3A_54 = vector.load %arg4[%swap3A_52, %swap3A_53] : memref<1x1024xf32, #tpu.memory_space<vmem>>, vector<1x1024xf32>
      tpu.vector_store %arg4[%swap3A_52, %swap3A_53], %add3A_51 {strides = array<i32>} : memref<1x1024xf32, #tpu.memory_space<vmem>>, vector<1x1024xf32>,
    } else {
    }
    return
  }
  func.func @transform_0(%arg0: i32) -> (i32, i32) {
    %c0_i32 = arith.constant 0 : i32
    %c0_i32_0 = arith.constant 0 : i32
    %c0_i32_1 = arith.constant 0 : i32
    return %c0_i32, %c0_i32_0 : i32, i32
  }
  func.func @transform_1(%arg0: i32) -> (i32, i32) {
    %c0_i32 = arith.constant 0 : i32
    %c0_i32_0 = arith.constant 0 : i32
    return %c0_i32, %arg0 : i32, i32
  }
  func.func @transform_2(%arg0: i32) -> (i32, i32) {
    %c0_i32 = arith.constant 0 : i32
    %c0_i32_0 = arith.constant 0 : i32
    return %arg0, %c0_i32 : i32, i32
  }
  func.func @transform_3(%arg0: i32) -> (i32, i32) {
    %c0_i32 = arith.constant 0 : i32
    %c0_i32_0 = arith.constant 0 : i32
    %c0_i32_1 = arith.constant 0 : i32
    return %c0_i32, %c0_i32_0 : i32, i32
  }
}

</mosaic_0001>

<sc_bundles>
// kernel: kernel.5.cloned.1.call-start
scs
__scs_entry_jumppad:
0x0: {  	(pc) =	sbr.rel $0x88, $3  }
0x1: {  	(tag) =	ssettag $0x0;
	lr =	simm.s32 $0x1  }
0x2: {  	[smem:$0x3F9E] =	sst lr;
	_ =	strace $0xD0000000  }
0x3: {  	_ = 	snop  }
0x4: {  	_ = 	snop  }
0x5: {  	_ = 	snop  }
0x6: {  	_ = 	snop  }
0x7: {  	_ = 	snop  }
__scs_overlays_trampoline_lowered:
0x8: {  	[smem:$0x3FAD] =	sst s0  }
0x9: {  	[smem:$0x3FAE] =	sst s1  }
0xa: {  	[smem:$0x3FAF] =	sst s2  }
0xb: {  	[smem:$0x3FB0] =	sst s3  }
0xc: {  	[smem:$0x3FB1] =	sst s4  }
0xd: {  	[smem:$0x3FB2] =	sst s5  }
0xe: {  	[smem:$0x3FB3] =	sst s6  }
0xf: {  	[smem:$0x3FB4] =	sst s7  }
0x10: {  	[smem:$0x3FB5] =	sst s8  }
0x11: {  	[smem:$0x3FB6] =	sst s9;
	s0 =	simm.s32 @!p0 $0x0  }
0x12: {  	s1 =	sld [smem:$0x3F9C];
	s0 =	simm.s32 @p0 $0x1  }
0x13: {  	[smem:$0x3FB7] =	sst s0;
	s0 =	simm.s32 @!p1 $0x0  }
0x14: {  	s2 =	sld [smem:$0x3F9B];
	s0 =	simm.s32 @p1 $0x1  }
0x15: {  	[smem:$0x3FB8] =	sst s0;
	s0 =	simm.s32 @!p2 $0x0  }
0x16: {  	s3 =	sld [smem:$0x3FDB];
	s0 =	simm.s32 @p2 $0x1  }
0x17: {  	s4 =	simm.s32 $0x1BF5;
	[smem:$0x3FBA] =	sst s0  }
0x18: {  	s0 =	sld [smem:$0x3F9D];
	_ =	swait.ge [sflag:s4], $0x0  }
0x19: {  	s7 =	sld [smem:$0x3F9E]  }
0x1a: {  	s8 =	sadd.s32 $0xFFFFE003, lr  }
0x1b: {  	s9 =	sadd.s32 $0xFFFFFEF7, lr;
	s5 =	simm.s32 $0xFFFFFFFF;
	p2 =	slt.u32 s8, $0xFFFFF086  }
0x1c: {  	p1 =	slt.u32 s9, $0xF7A;
	s5 =	simm.s32 @!p2 $0x0  }
0x1d: {  	s5 =	simm.s32 @p1 $0x1;
	p0 =	seq.s32 s7, s2  }
0x1e: {  	s7 =	smul.u32 @!p0 $0xF7A, s2;
	p2 =	seq.s32 @!p0 s5, $0x0  }
0x1f: {  	s9 =	smul.u32 $0xF7A, s1;
	s8 =	simm.s32 @!p0 $0x1BF5;
	p2 =	por !p2, p0  }
0x20: {  	[sflag:s8] =	ssyncset.s32 @!p0 $0xFFFFF086;
	s6 =	sadd.s32 @!p0 s3, s7;
	s7 =	simm.s32 @!p0 $0x108  }
0x21: {  	s3 =	sadd.s32 s3, s9;
	s6 =	sadd.s32 @!p0 $0x88, s6;
	s7 =	simm.s32 @p2 $0x1082  }
0x22: {  	[simem:s7], [sflag:s8] =	dma.local @!p0 [hbm:s6], $0xF7A  }
0x23: {  	s9 =	sor.u32 $0xD0000000, s2;
	s6 =	simm.s32 $0x108;
	_ =	swait.ge @!p0 [sflag:s8], $0x0  }
0x24: {  	s3 =	sadd.s32 $0x88, s3;
	s6 =	simm.s32 @!p1 $0x1082;
	[sflag:s4] =	ssyncset.s32 $0xFFFFF086  }
0x25: {  	[simem:s6], [sflag:s4] =	dma.local [hbm:s3], $0xF7A  }
0x26: {  	[smem:$0x3F9E] =	sst s1;
	(tag) =	ssettag s2;
	_ =	strace s9  }
0x27: {  	s1 =	sld [smem:$0x3FAE]  }
0x28: {  	s2 =	sld [smem:$0x3FAF]  }
0x29: {  	s4 =	sld [smem:$0x3FB1]  }
0x2a: {  	p0 =	seq.s32 s5, $0x0;
	s5 =	sld [smem:$0x3FB2]  }
0x2b: {  	s6 =	sld [smem:$0x3FB3]  }
0x2c: {  	s7 =	sld [smem:$0x3FB4]  }
0x2d: {  	s3 =	simm.s32 $0x108;
	s8 =	sld [smem:$0x3FB5]  }
0x2e: {  	s3 =	simm.s32 @!p0 $0x1082;
	s9 =	sld [smem:$0x3FB6]  }
0x2f: {  	lr =	sadd.s32 s0, s3;
	s0 =	sld [smem:$0x3FAD]  }
0x30: {  	s3 =	sld [smem:$0x3FB0]  }
0x31: {  	[smem:$0x3FB9] =	sst s10  }
0x32: {  	s10 =	sld [smem:$0x3FB7];
	_ =	sdelay $0x3  }
0x33: {  	p0 =	seq.s32 s10, $0x1;
	s10 =	sld [smem:$0x3FB9];
	_ =	sdelay $0x3  }
0x34: {  	[smem:$0x3FB9] =	sst s10  }
0x35: {  	s10 =	sld [smem:$0x3FB8];
	_ =	sdelay $0x3  }
0x36: {  	p1 =	seq.s32 s10, $0x1;
	s10 =	sld [smem:$0x3FB9];
	_ =	sdelay $0x3  }
0x37: {  	[smem:$0x3FB9] =	sst s10  }
0x38: {  	s10 =	sld [smem:$0x3FBA]  }
0x39: {  	_ = 	snop;
	(pc) =	sbr.ind lr, $3  }
0x3a: {  	_ = 	snop  }
0x3b: {  	_ = 	snop  }
0x3c: {  	p2 =	seq.s32 s10, $0x1;
	s10 =	sld [smem:$0x3FB9]  }
0x3d: {  	_ =	shalt  }
0x3e: {  	_ =	shalt  }
0x3f: {  	_ =	shalt  }
0x40: {  	_ =	shalt  }
0x41: {  	_ =	shalt  }
0x42: {  	_ =	shalt  }
0x43: {  	_ =	shalt  }
0x44: {  	_ =	shalt  }
0x45: {  	_ =	shalt  }
0x46: {  	_ =	shalt  }
0x47: {  	_ =	shalt  }
0x48: {  	_ =	shalt  }
0x49: {  	_ =	shalt  }
0x4a: {  	_ =	shalt  }
0x4b: {  	_ =	shalt  }
0x4c: {  	_ =	shalt  }
0x4d: {  	_ =	shalt  }
0x4e: {  	_ =	shalt  }
0x4f: {  	_ =	shalt  }
0x50: {  	_ =	shalt  }
0x51: {  	_ =	shalt  }
0x52: {  	_ =	shalt  }
0x53: {  	_ =	shalt  }
0x54: {  	_ =	shalt  }
0x55: {  	_ =	shalt  }
0x56: {  	_ =	shalt  }
0x57: {  	_ =	shalt  }
0x58: {  	_ =	shalt  }
0x59: {  	_ =	shalt  }
0x5a: {  	_ =	shalt  }
0x5b: {  	_ =	shalt  }
0x5c: {  	_ =	shalt  }
0x5d: {  	_ =	shalt  }
0x5e: {  	_ =	shalt  }
0x5f: {  	_ =	shalt  }
0x60: {  	_ =	shalt  }
0x61: {  	_ =	shalt  }
0x62: {  	_ =	shalt  }
0x63: {  	_ =	shalt  }
0x64: {  	_ =	shalt  }
0x65: {  	_ =	shalt  }
0x66: {  	_ =	shalt  }
0x67: {  	_ =	shalt  }
0x68: {  	_ =	shalt  }
0x69: {  	_ =	shalt  }
0x6a: {  	_ =	shalt  }
0x6b: {  	_ =	shalt  }
0x6c: {  	_ =	shalt  }
0x6d: {  	_ =	shalt  }
0x6e: {  	_ =	shalt  }
0x6f: {  	_ =	shalt  }
0x70: {  	_ =	shalt  }
0x71: {  	_ =	shalt  }
0x72: {  	_ =	shalt  }
0x73: {  	_ =	shalt  }
0x74: {  	_ =	shalt  }
0x75: {  	_ =	shalt  }
0x76: {  	_ =	shalt  }
0x77: {  	_ =	shalt  }
0x78: {  	_ =	shalt  }
0x79: {  	_ =	shalt  }
0x7a: {  	_ =	shalt  }
0x7b: {  	_ =	shalt  }
0x7c: {  	_ =	shalt  }
0x7d: {  	_ =	shalt  }
0x7e: {  	_ =	shalt  }
0x7f: {  	_ =	shalt  }
0x80: {  	_ =	shalt  }
0x81: {  	_ =	shalt  }
0x82: {  	_ =	shalt  }
0x83: {  	_ =	shalt  }
0x84: {  	_ =	shalt  }
0x85: {  	_ =	shalt  }
0x86: {  	_ =	shalt  }
0x87: {  	_ =	shalt  }
.Lfunc_end0:
.L_simem_size_0:
called_computation_lowered:
.L_overlay_start_0:
0x88: {  	s2 =	sld [smem:$0x3FD9]  }
0x89: {  	s3 =	sld [smem:$0x3FFE];
	_ =	sdelay $0x1  }
0x8a: {  	s1 =	srdreg.scid  }
0x8b: {  	s0 =	sand.u32 $0x1, s1  }
0x8c: {  	s14 =	sshll.u32 s0, $0xA;
	s2 =	sadd.s32 s3, s2  }
0x8d: {  	s2 =	sadd.s32 s2, s14  }
0x8e: {  	[smem:$0x3FC5] =	sst s2  }
0x8f: {  	_ = 	snop  }
0x90: {  	s2 =	sld [smem:$0x3FD0];
	_ =	sdelay $0x2  }
0x91: {  	s4 =	simm.s32 $0xA;
	s5 =	simm.s32 $0x10;
	s15 =	sld [smem:$0x3FC8]  }
0x92: {  	[smem:s5], [sflag:s4] =	dma.local [hbm:s2], $0x1  }
0x93: {  	_ =	swait.eq [sflag:s4], $0x1  }
0x94: {  	[sflag:s4] =	ssyncset.done $0x0  }
0x95: {  	[sflag:s4] =	ssyncadd.s32 $0xFFFFFFFF  }
0x96: {  	s16 =	sld [smem:$0x11];
	(tm) =	ssettm $0x1  }
0x97: {  	s17 =	sld [smem:$0x3FFB];
	_ =	sdelay $0x3  }
0x98: {  	_ =	strace s17  }
0x99: {  	s4 =	sld [smem:$0x3FFC];
	_ =	sdelay $0x3  }
0x9a: {  	_ =	strace s4  }
0x9b: {  	s4 =	sld [smem:$0x3FFD];
	_ =	sdelay $0x3  }
0x9c: {  	_ =	strace s4  }
0x9d: {  	_ =	strace $0x8FFFFFFF  }
0x9e: {  	s18 =	sld [smem:$0x3FDB];
	_ =	sdelay $0x1  }
0x9f: {  	s19 =	simm.s32 $_scs_section_size  }
0xa0: {  	s6 =	simm.s32 $_size__tile_overlayer_lowered;
	s7 =	simm.s32 $_tile_overlayer_lowered  }
0xa1: {  	s22 =	simm.s32 $0x1BFF;
	s21 =	sshll.u32 s7, $0x1;
	s4 =	sadd.s32 s19, s18  }
0xa2: {  	s8 =	simm.s32 $0x0;
	s20 =	sshll.u32 s6, $0x1;
	s6 =	sadd.s32 s21, s4  }
0xa3: {  	[timem:s8], [sflag:s22] =	dma.local [hbm:s6], s20  }
0xa4: {  	_ =	swait.ge [sflag:s22], s20  }
0xa5: {  	s5 =	ssub.s32 $0x0, s20;
	[sflag:s22] =	ssyncset.done $0x0  }
0xa6: {  	[sflag:s22] =	ssyncadd.s32 s5;
	_ =	sdelay $0x1  }
0xa7: {  	s23 =	simm.s32 $0x1B8B  }
0xa8: {  	_ =	swait.ge [sflag:s23], $0x1  }
0xa9: {  	[sflag:s23] =	ssyncset.done $0x0  }
0xaa: {  	s25 =	simm.s32 $0x1B8E;
	s24 =	sld [smem:$0x3FFE];
	[sflag:s23] =	ssyncadd.s32 $0xFFFFFFFF  }
0xab: {  	s26 =	simm.s32 $execute0_lowered;
	[smem:$0x3FD2] =	sst s25  }
0xac: {  	s6 =	sshll.u32 s26, $0x1;
	_ =	strace $0x80000046;
	[dreg:$0x1] =	wrdreg $0xFFFFFFFF  }
0xad: {  	s28 =	simm.s32 $_size_execute0_lowered;
	s4 =	sadd.s32 s4, s6;
	[dreg:$0x0] =	wrdreg $0x0  }
0xae: {  	s6 =	sshll.u32 s28, $0x1;
	[dreg:$0x2] =	wrdreg s4  }
0xaf: {  	[dreg:$0x3] =	wrdreg s6  }
0xb0: {  	[dreg:$0x4] =	wrdreg $0xC0  }
0xb1: {  	_ =	task [dreg:s8], $0x5FFFF  }
0xb2: {  	[dreg:$0x1] =	wrdreg $0xFFFFFFFF  }
0xb3: {  	[dreg:$0x0] =	wrdreg $0x60  }
0xb4: {  	[dreg:$0x2] =	wrdreg s16  }
0xb5: {  	[dreg:$0x3] =	wrdreg s15  }
0xb6: {  	[dreg:$0x4] =	wrdreg s24  }
0xb7: {  	[dreg:$0x5] =	wrdreg $0x9  }
0xb8: {  	_ =	task.clear_ibuf [dreg:s8], $0x6FFFF;
	_ =	strace $0x90000046  }
0xb9: {  	s29 =	simm.s32 $0x9;
	_ =	strace $0x80000048  }
0xba: {  	_ =	swait.ge [sflag:s29], $0x1  }
0xbb: {  	[sflag:s29] =	ssyncadd.s32 $0xFFFFFFFF  }
0xbc: {  	_ =	strace $0x90000048  }
0xbd: {  	_ =	sfence  }
0xbe: {  	s30 =	sld [smem:$0x0];
	_ =	sdelay $0x2  }
0xbf: {  	s31 =	sshll.u32 s1, $0xD;
	s1 =	sshrl.u32 s1, $0x2  }
0xc0: {  	s3 =	sand.u32 $0x4000, s31;
	s1 =	sadd.s32 s1, s30  }
0xc1: {  	s0 =	sor.u32 s3, s0;
	s1 =	sshll.u32 s1, $0x11  }
0xc2: {  	s0 =	sor.u32 s1, s0  }
0xc3: {  	s0 =	sadd.s32 $0x8F2B, s0  }
0xc4: {  	[sflag:s0] =	ssyncadd.remote.s32 $0x1  }
0xc5: {  	_ =	sfence.sel $0xFFFF  }
0xc6: {  	[dreg:$0x0] =	wrdreg $0xFFFFFFFF;
	(pc) =	sbr.abs _section_cstart, $3  }
0xc7: {  	[dreg:$0x1] =	wrdreg $0xFFFFFFFF  }
0xc8: {  	_ =	task.clear_ibuf [dreg:s8], $0x2FFFF;
	_ =	strace $0x9FFFFFFF  }
0xc9: {  	(tm) =	ssettm $0x7FFFFFFF  }
tec
execute0_lowered:
.L_overlay_start_1:
0x0: {  	(tag) =	ssettag $0x1  }
0x1: {  	s1 =	rddreg [dreg:$0x0]  }
0x2: {  	s4 =	rddreg [dreg:$0x1]  }
0x3: {  	s5 =	rddreg [dreg:$0x2];
	s3 =	srdreg.scid  }
0x4: {  	s0 =	rddreg [dreg:$0x3];
	s2 =	stileid.u32;
	s10 =	simm.s32 $0x2  }
0x5: {  	s11 =	simm.s32 $0x80;
	s12 =	simm.s32 $0x880;
	s13 =	simm.s32 $0x1080  }
0x6: {  	s14 =	simm.s32 $0x1880;
	s15 =	simm.s32 $0x2080;
	s16 =	simm.s32 $0x2880  }
0x7: {  	s17 =	simm.s32 $0x3080;
	s18 =	simm.s32 $0x3880;
	s19 =	simm.s32 $0x4080  }
0x8: {  	s20 =	simm.s32 $0x4880;
	s21 =	simm.s32 $0x5080;
	s22 =	simm.s32 $0x5880  }
0x9: {  	s23 =	simm.s32 $0x6080;
	s24 =	simm.s32 $0x6880;
	s25 =	simm.s32 $0x7080  }
0xa: {  	s26 =	simm.s32 $0x7880;
	s28 =	simm.s32 $0x1;
	s6 =	sand.u32 $0x1, s3  }
0xb: {  	s3 =	simm.s32 $0x0;
	s7 =	sshll.u32 s2, $0x6;
	s8 =	sshll.u32 s6, $0x5  }
0xc: {  	[smem:$0x7FF] =	sst s3;
	s6 =	ssub.s32 $0x2, s6;
	s7 =	sor.u32 s8, s7  }
0xd: {  	_ =	strace $0x80000047;
	s9 =	sshrl.u32 s6, $0x1;
	s8 =	sshll.u32 s7, $0x7  }
0xe: {  	v2 =	vlaneseq.u32;
	s9 =	ssub.s32 s6, s9;
	s31 =	sshrl.u32 s7, $0x3;
	s6 =	sadd.s32 $0x200, s1  }
0xf: {  	vm0 =	vmmov $0xffff;
	v1 =	vshrl.u32 v2, $0x3;
	s7 =	sadd.s32 $0x300, s1;
	s8 =	sadd.s32 s8, s5;
	s4 =	sadd.s32 s4, s31  }
0x10: {  	v0 =	vand.u32 $0x7, v2;
	v2 =	vor.u32 $0x8, v2;
	v1 =	vmul.u32 $0x8, v1;
	s5 =	sadd.s32 $0x100, s1;
	s9 =	smax.u32 s9, $0x1;
	s8 =	sadd.s32 $0x1200, s8  }
.LBB2_1:
0x11: {  	[tilespmem:s3], [sflag:$0x2] =	stream.linear.gather [hbm4b:s4+s3], $0x20, $0x38;
	[tilespmem:$0x8080] =	vst v63  }
0x12: {  	_ =	swait.ge [sflag:s10], $0x20  }
0x13: {  	[sflag:s10] =	ssyncset.done $0x0  }
0x14: {  	[sflag:s10] =	ssyncadd.s32 $0xFFFFFFE0  }
0x15: {  	v3 =	vld [tilespmem:$0x0];
	_ =	sdelay $0x4  }
0x16: {  	v4 =	vshll.u32 v3, $0x3  }
0x17: {  	v3 =	vand.u32 $0x7, v3;
	v4 =	vand.u32 $0xFFFFFFC0, v4  }
0x18: {  	v3 =	vor.u32 v3, v4  }
0x19: {  	v4 =	vperm.xlane v3, v0;
	_ =	sdelay $0x1  }
0x1a: {  	v4 =	vadd.s32 v1, v4;
	_ =	sdelay $0x4  }
0x1b: {  	[tilespmem:s11], [sflag:$0x1] =	stream.indirect_vreg.gather [hbm4b:s1+s3], $0x80, v4, vm0, $0xb8;
	[tilespmem:$0x8080] =	vst v63  }
0x1c: {  	v3 =	vperm.xlane v3, v2  }
0x1d: {  	[tilespmem:s12], [sflag:$0x1] =	stream.indirect_vreg.gather [hbm4b:s5+s3], $0x80, v4, vm0, $0xb8;
	[tilespmem:$0x8080] =	vst v63  }
0x1e: {  	v3 =	vadd.s32 v1, v3  }
0x1f: {  	[tilespmem:s13], [sflag:$0x1] =	stream.indirect_vreg.gather [hbm4b:s6+s3], $0x80, v4, vm0, $0xb8;
	[tilespmem:$0x8080] =	vst v63  }
0x20: {  	_ = 	snop  }
0x21: {  	[tilespmem:s14], [sflag:$0x1] =	stream.indirect_vreg.gather [hbm4b:s7+s3], $0x80, v4, vm0, $0xb8;
	[tilespmem:$0x8080] =	vst v63  }
0x22: {  	_ = 	snop  }
0x23: {  	[tilespmem:s15], [sflag:$0x1] =	stream.indirect_vreg.gather [hbm4b:s1+s3], $0x80, v3, vm0, $0xb8;
	[tilespmem:$0x8080] =	vst v63  }
0x24: {  	_ = 	snop  }
0x25: {  	[tilespmem:s16], [sflag:$0x1] =	stream.indirect_vreg.gather [hbm4b:s5+s3], $0x80, v3, vm0, $0xb8;
	[tilespmem:$0x8080] =	vst v63  }
0x26: {  	_ = 	snop  }
0x27: {  	[tilespmem:s17], [sflag:$0x1] =	stream.indirect_vreg.gather [hbm4b:s6+s3], $0x80, v3, vm0, $0xb8;
	[tilespmem:$0x8080] =	vst v63  }
0x28: {  	_ = 	snop  }
0x29: {  	[tilespmem:s18], [sflag:$0x1] =	stream.indirect_vreg.gather [hbm4b:s7+s3], $0x80, v3, vm0, $0xb8;
	[tilespmem:$0x8080] =	vst v63  }
0x2a: {  	v3 =	vld [tilespmem:$0x10];
	_ =	sdelay $0x4  }
0x2b: {  	v63 =	vshll.u32 v3, $0x3  }
0x2c: {  	v3 =	vand.u32 $0x7, v3;
	v4 =	vand.u32 $0xFFFFFFC0, v63  }
0x2d: {  	v3 =	vor.u32 v3, v4  }
0x2e: {  	v4 =	vperm.xlane v3, v0;
	_ =	sdelay $0x1  }
0x2f: {  	v4 =	vadd.s32 v1, v4;
	_ =	sdelay $0x4  }
0x30: {  	[tilespmem:s19], [sflag:$0x1] =	stream.indirect_vreg.gather [hbm4b:s1+s3], $0x80, v4, vm0, $0xb8;
	[tilespmem:$0x8080] =	vst v63  }
0x31: {  	v3 =	vperm.xlane v3, v2  }
0x32: {  	[tilespmem:s20], [sflag:$0x1] =	stream.indirect_vreg.gather [hbm4b:s5+s3], $0x80, v4, vm0, $0xb8;
	[tilespmem:$0x8080] =	vst v63  }
0x33: {  	v3 =	vadd.s32 v1, v3  }
0x34: {  	[tilespmem:s21], [sflag:$0x1] =	stream.indirect_vreg.gather [hbm4b:s6+s3], $0x80, v4, vm0, $0xb8;
	[tilespmem:$0x8080] =	vst v63  }
0x35: {  	_ = 	snop  }
0x36: {  	[tilespmem:s22], [sflag:$0x1] =	stream.indirect_vreg.gather [hbm4b:s7+s3], $0x80, v4, vm0, $0xb8;
	[tilespmem:$0x8080] =	vst v63  }
0x37: {  	_ = 	snop  }
0x38: {  	[tilespmem:s23], [sflag:$0x1] =	stream.indirect_vreg.gather [hbm4b:s1+s3], $0x80, v3, vm0, $0xb8;
	[tilespmem:$0x8080] =	vst v63  }
0x39: {  	_ = 	snop  }
0x3a: {  	[tilespmem:s24], [sflag:$0x1] =	stream.indirect_vreg.gather [hbm4b:s5+s3], $0x80, v3, vm0, $0xb8;
	[tilespmem:$0x8080] =	vst v63  }
0x3b: {  	_ = 	snop  }
0x3c: {  	[tilespmem:s25], [sflag:$0x1] =	stream.indirect_vreg.gather [hbm4b:s6+s3], $0x80, v3, vm0, $0xb8;
	[tilespmem:$0x8080] =	vst v63  }
0x3d: {  	_ = 	snop  }
0x3e: {  	[tilespmem:s26], [sflag:$0x1] =	stream.indirect_vreg.gather [hbm4b:s7+s3], $0x80, v3, vm0, $0xb8;
	[tilespmem:$0x8080] =	vst v63  }
0x3f: {  	_ =	swait.ge [sflag:s28], $0x8000  }
0x40: {  	p0 =	sne.s32 s9, $0x1;
	[sflag:s28] =	ssyncset.done $0x0  }
.Ltmp0:
0x41: {  	[sflag:s28] =	ssyncadd.s32 $0xFFFF8000;
	(pc) =	sbr.rel @p0 .LBB2_1-.Ltmp0, $4  }
0x42: {  	[hbm4b:s8+s3] =	stream.linear.scatter [tilespmem:s11], [sflag:$0x2], $0x8000, $0x38;
	[tilespmem:$0x8080] =	vst v63  }
0x43: {  	_ =	swait.ge [sflag:s10], $0x8000  }
0x44: {  	[sflag:s10] =	ssyncset.done $0x0  }
0x45: {  	s9 =	sadd.s32 $0xFFFFFFFF, s9;
	[sflag:s10] =	ssyncadd.s32 $0xFFFF8000  }
0x46: {  	_ =	sfence.sel $0x180000  }
0x47: {  	[bflag:$0x0] =	sbarrier.arrive $0xFFFF  }
0x48: {  	p0 =	sne.s32 s2, $0x0;
	_ =	strace $0x90000047  }
0x49: {  	s0 =	sadd.s32 @!p0 $0x100000, s0;
	[bflag:$0x2] =	sbarrier.arrive $0xFFFF  }
0x4a: {  	[sflag:s0] =	ssyncadd.tile.s32 @!p0 $0x1;
	_ =	shalt  }
.Lfunc_end2:
_tile_overlayer_lowered:
.L_overlay_start_2:
0x4b: {  	(tag) =	ssettag $0x2  }
0x4c: {  	s0 =	rddreg [dreg:$0x0];
	s2 =	stileid.u32  }
0x4d: {  	s1 =	rddreg [dreg:$0x1];
	p0 =	sne.s32 s2, $0x0  }
0x4e: {  	s3 =	rddreg [dreg:$0x2];
	[bflag:$0x3] =	sbarrier.arrive $0xFFFF;
	s2 =	simm.s32 @!p0 $0x1C02  }
0x4f: {  	[timem:s3], [sflag:s2] =	dma.local @!p0 [hbm:s0], s1  }
0x50: {  	s0 =	simm.s32 @!p0 $0x2  }
0x51: {  	_ =	swait.ge @!p0 [sflag:s0], s1  }
0x52: {  	s1 =	ssub.s32 @!p0 $0x0, s1;
	[sflag:s0] =	ssyncset.done @!p0 $0x0  }
0x53: {  	[sflag:s0] =	ssyncadd.s32 @!p0 s1  }
0x54: {  	[bflag:$0x3] =	sbarrier.arrive $0xFFFF  }
0x55: {  	_ =	shalt  }

</sc_bundles>
